<compile_context>
chip_gen: v7x
topology: tpu7x:2x2x1
jax: 0.10.2.dev20260603
libtpu: 0.0.44.dev20260713+nightly
codegen_flags: <defaults>
</compile_context>

<pallas_src>
import jax
import jax.numpy as jnp
from jax.experimental import pallas as pl
from jax.experimental.pallas import tpu as pltpu

_M, _E, _ENC = 16 * 1025, 512, 1024
_T = 400


def _body(xh_ref, out_ref):
    out_ref[...] = xh_ref[:, :_E]


def kernel(xh, x, mask, emb_W, emb_b, pos_W, mask_token, cls_pos_emb):
    xhf = xh.reshape(_M, _ENC)
    out = pl.pallas_call(
        _body,
        grid=(_M // _T,),
        in_specs=[pl.BlockSpec((_T, _ENC), lambda i: (i, 0))],
        out_specs=pl.BlockSpec((_T, _E), lambda i: (i, 0)),
        out_shape=jax.ShapeDtypeStruct((_M, _E), jnp.float32),
        compiler_params=pltpu.CompilerParams(
            dimension_semantics=("arbitrary",)),
    )(xhf)
    return out.reshape(16, 1025, _E)

# --- scband reference (transcript-rebuilt; emitter-appended) ---
"""Pipeline reference for scband-maedecoder-embedder-19464791785493 (READ-ONLY COPY).

The authoritative reference and input builder live on the scoring server;
editing this copy changes nothing except your own understanding.
"""

import jax, jax.numpy as jnp
import numpy as np

B, N, E = 16, 1024, 512
ENC = 1024
C, K = 4, 16

def setup_inputs(seed: int = 0):
    key = jax.random.key(seed)
    ks = jax.random.split(key, 8)
    xh = jax.random.normal(ks[0], (B, N + 1, ENC), dtype=jnp.float32)
    x = jax.random.normal(ks[1], (B, N, C * K * K), dtype=jnp.float32)
    mask = jnp.ones((B, N + 1), dtype=bool)
    emb_W = jax.random.normal(ks[2], (E, ENC), dtype=jnp.float32) * 0.02
    emb_b = jnp.zeros((E,), dtype=jnp.float32)
    pos_W = jax.random.normal(ks[3], (E, K * K), dtype=jnp.float32) * 0.02
    mask_token = jax.random.normal(ks[4], (1, E), dtype=jnp.float32) * 1e-6
    cls_pos_emb = jax.random.normal(ks[5], (1, 1, E), dtype=jnp.float32) * 1e-6
    return {"xh": xh, "x": x, "mask": mask, "emb_W": emb_W, "emb_b": emb_b,
            "pos_W": pos_W, "mask_token": mask_token, "cls_pos_emb": cls_pos_emb}

def reference(xh, x, mask, emb_W, emb_b, pos_W, mask_token, cls_pos_emb):
    Bb, Nn, _ = x.shape
    # last channel of each patch -> positional embedding input [B, N, K*K]
    patch_last = x.reshape(Bb, Nn, C, K, K)[:, :, -1].reshape(Bb, Nn, K * K)
    pos = jnp.concatenate([
        jnp.broadcast_to(cls_pos_emb, (Bb, 1, E)),
        patch_last @ pos_W.T
    ], axis=1)
    # linear embed of visible tokens (emb(xh).view(-1, E))
    vis = xh.reshape(-1, xh.shape[-1]) @ emb_W.T + emb_b
    # faithful boolean masked scatter: k-th True position in row-major order
    # receives the k-th row of vis; False positions receive mask_token.
    flat_mask = mask.reshape(-1)
    gidx = jnp.cumsum(flat_mask.astype(jnp.int32)) - 1
    gidx = jnp.clip(gidx, 0, vis.shape[0] - 1)
    rows = jnp.where(flat_mask[:, None], jnp.take(vis, gidx, axis=0), mask_token)
    out = rows.reshape(Bb, Nn + 1, E)
    return out + pos

if __name__ == "__main__":
    import jax
    _d = setup_inputs()
    print(jax.jit(kernel)(*tuple(_d.values())))

</pallas_src>

<mosaic_0001>
module attributes {stable_mosaic.version = 14 : i64} {
  func.func @_body(%arg0: i32, %arg1: memref<400x1024xf32, #tpu.memory_space<vmem>>, %arg2: memref<400x512xf32, #tpu.memory_space<vmem>>) attributes {dimension_semantics = [#tpu.dimension_semantics<arbitrary>], iteration_bounds = array<i64: 41>, scalar_prefetch = 0 : i64, scratch_operands = 0 : i64, tpu.core_type = #tpu.core_type<tc>, window_params = [{transform_indices = @transform_0, window_bounds = array<i64: 400, 1024>}, {transform_indices = @transform_1, window_bounds = array<i64: 400, 512>}]} {
    %get3A = arith.constant 0 : index
    %get3A_0 = arith.constant 0 : index
    %get3A_1 = vector.load %arg1[%get3A, %get3A_0] : memref<400x1024xf32, #tpu.memory_space<vmem>>, vector<400x512xf32>
    %swap3A = arith.constant 0 : index
    %swap3A_2 = arith.constant 0 : index
    %swap3A_3 = vector.load %arg2[%swap3A, %swap3A_2] : memref<400x512xf32, #tpu.memory_space<vmem>>, vector<400x512xf32>
    tpu.vector_store %arg2[%swap3A, %swap3A_2], %get3A_1 {strides = array<i32>} : memref<400x512xf32, #tpu.memory_space<vmem>>, vector<400x512xf32>,
    return
  }
  func.func @transform_0(%arg0: i32) -> (i32, i32) {
    %c0_i32 = arith.constant 0 : i32
    %c0_i32_0 = arith.constant 0 : i32
    return %arg0, %c0_i32 : i32, i32
  }
  func.func @transform_1(%arg0: i32) -> (i32, i32) {
    %c0_i32 = arith.constant 0 : i32
    %c0_i32_0 = arith.constant 0 : i32
    return %arg0, %c0_i32 : i32, i32
  }
}

</mosaic_0001>

<sc_bundles>
// kernel: sparse-core-data-format-call.cloned.1.call-start
scs
called_computation_lowered:
.L_overlay_start_0:
0x0: {  	s2 =	sld [smem:$0x3FD9]  }
0x1: {  	s3 =	sld [smem:$0x3FFE];
	_ =	sdelay $0x1  }
0x2: {  	s1 =	srdreg.scid  }
0x3: {  	s0 =	sand.u32 $0x1, s1  }
0x4: {  	s18 =	sshll.u32 s0, $0xA;
	s2 =	sadd.s32 s3, s2  }
0x5: {  	s2 =	sadd.s32 s2, s18  }
0x6: {  	[smem:$0x3FC7] =	sst s2  }
0x7: {  	_ = 	snop  }
0x8: {  	s2 =	sld [smem:$0x3FD0];
	(tm) =	ssettm $0x1  }
0x9: {  	s19 =	sld [smem:$0x3FFB];
	_ =	sdelay $0x3  }
0xa: {  	_ =	strace s19  }
0xb: {  	s3 =	sld [smem:$0x3FFC];
	_ =	sdelay $0x3  }
0xc: {  	_ =	strace s3  }
0xd: {  	s3 =	sld [smem:$0x3FFD];
	_ =	sdelay $0x3  }
0xe: {  	_ =	strace s3  }
0xf: {  	_ =	strace $0x8FFFFFFF  }
0x10: {  	s20 =	sld [smem:$0x3FDB];
	_ =	sdelay $0x1  }
0x11: {  	s4 =	simm.s32 $_scs_section_size  }
0x12: {  	s5 =	simm.s32 $_size__tile_overlayer_lowered;
	s6 =	simm.s32 $_tile_overlayer_lowered  }
0x13: {  	s23 =	simm.s32 $0x1BFF;
	s22 =	sshll.u32 s6, $0x1;
	s3 =	sadd.s32 s4, s20  }
0x14: {  	s7 =	simm.s32 $0x0;
	s21 =	sshll.u32 s5, $0x1;
	s5 =	sadd.s32 s22, s3  }
0x15: {  	[timem:s7], [sflag:s23] =	dma.local [hbm:s5], s21  }
0x16: {  	_ =	swait.ge [sflag:s23], s21  }
0x17: {  	s4 =	ssub.s32 $0x0, s21;
	[sflag:s23] =	ssyncset.done $0x0  }
0x18: {  	[sflag:s23] =	ssyncadd.s32 s4;
	_ =	sdelay $0x1  }
0x19: {  	s24 =	simm.s32 $0x1B8B  }
0x1a: {  	_ =	swait.ge [sflag:s24], $0x1  }
0x1b: {  	[sflag:s24] =	ssyncset.done $0x0  }
0x1c: {  	s26 =	simm.s32 $0x1B8E;
	s25 =	sld [smem:$0x3FFE];
	[sflag:s24] =	ssyncadd.s32 $0xFFFFFFFF  }
0x1d: {  	s27 =	simm.s32 $execute0_lowered;
	[smem:$0x3FD2] =	sst s26  }
0x1e: {  	s5 =	sshll.u32 s27, $0x1;
	_ =	strace $0x80000046;
	[dreg:$0x1] =	wrdreg $0xFFFFFFFF  }
0x1f: {  	s28 =	simm.s32 $_size_execute0_lowered;
	s3 =	sadd.s32 s3, s5;
	[dreg:$0x0] =	wrdreg $0x0  }
0x20: {  	s5 =	sshll.u32 s28, $0x1;
	[dreg:$0x2] =	wrdreg s3  }
0x21: {  	[dreg:$0x3] =	wrdreg s5  }
0x22: {  	[dreg:$0x4] =	wrdreg $0xC0  }
0x23: {  	_ =	task [dreg:s7], $0x5FFFF  }
0x24: {  	[dreg:$0x1] =	wrdreg $0xFFFFFFFF  }
0x25: {  	[dreg:$0x0] =	wrdreg $0x60  }
0x26: {  	[dreg:$0x2] =	wrdreg s25  }
0x27: {  	[dreg:$0x3] =	wrdreg s2  }
0x28: {  	[dreg:$0x4] =	wrdreg $0x9  }
0x29: {  	_ =	task.clear_ibuf [dreg:s7], $0x5FFFF;
	_ =	strace $0x90000046  }
0x2a: {  	s29 =	simm.s32 $0x9;
	_ =	strace $0x80000048  }
0x2b: {  	_ =	swait.ge [sflag:s29], $0x1  }
0x2c: {  	[sflag:s29] =	ssyncadd.s32 $0xFFFFFFFF  }
0x2d: {  	_ =	strace $0x90000048  }
0x2e: {  	_ =	sfence  }
0x2f: {  	s30 =	sld [smem:$0x0];
	_ =	sdelay $0x2  }
0x30: {  	s31 =	sshll.u32 s1, $0xD;
	s1 =	sshrl.u32 s1, $0x2  }
0x31: {  	s3 =	sand.u32 $0x4000, s31;
	s1 =	sadd.s32 s1, s30  }
0x32: {  	s0 =	sor.u32 s3, s0;
	s1 =	sshll.u32 s1, $0x11  }
0x33: {  	s0 =	sor.u32 s1, s0  }
0x34: {  	s0 =	sadd.s32 $0x8F2B, s0  }
0x35: {  	[sflag:s0] =	ssyncadd.remote.s32 $0x1  }
0x36: {  	_ =	sfence.sel $0xFFFF  }
0x37: {  	[dreg:$0x0] =	wrdreg $0xFFFFFFFF;
	(pc) =	sbr.abs _section_cstart, $3  }
0x38: {  	[dreg:$0x1] =	wrdreg $0xFFFFFFFF  }
0x39: {  	_ =	task.clear_ibuf [dreg:s7], $0x2FFFF;
	_ =	strace $0x9FFFFFFF  }
0x3a: {  	(tm) =	ssettm $0x7FFFFFFF  }
0x3b: {  	_ =	shalt  }
tec
execute0_lowered:
.L_overlay_start_1:
0x0: {  	(tag) =	ssettag $0x1  }
0x1: {  	s0 =	rddreg [dreg:$0x0];
	s3 =	stileid.u32  }
0x2: {  	s1 =	srdreg.scid;
	_ =	strace $0x80000047;
	s31 =	simm.s32 $0x2  }
0x3: {  	s20 =	simm.s32 $0x0;
	s12 =	simm.s32 $0x2000;
	s13 =	simm.s32 $0x0  }
0x4: {  	s19 =	simm.s32 $0x0;
	s21 =	simm.s32 $0x0;
	s2 =	sshll.u32 s3, $0x3  }
0x5: {  	s14 =	simm.s32 $0x0;
	s3 =	sshll.u32 s3, $0x2;
	s2 =	sand.u32 $0x8, s2  }
0x6: {  	s1 =	sshll.u32 s1, $0x8;
	s3 =	sand.u32 $0x38, s3;
	s26 =	ssub.s32 $0x10, s2  }
0x7: {  	s4 =	sand.u32 $0x100, s1;
	s6 =	ssub.s32 $0x400, s3;
	s1 =	sshrl.u32 s26, $0x3  }
0x8: {  	s5 =	sshrl.u32 s26, $0x4;
	s6 =	sshrl.u32 s6, $0x6;
	s1 =	sand.u32 $0x1, s1  }
0x9: {  	s7 =	ssub.s32 $0x200, s4;
	s28 =	sadd.s32 $0x1, s6;
	s1 =	sadd.s32 s5, s1  }
0xa: {  	s15 =	simm.s32 $0x0;
	s29 =	sshrl.u32 s7, $0x8;
	s1 =	smul.u32 s28, s1  }
.Ltmp0:
0xb: {  	s7 =	sshrl.u32 s7, $0x9;
	s6 =	sand.u32 $0x1, s29;
	(pc) =	sbr.rel .LBB1_1-.Ltmp0, $4  }
0xc: {  	s18 =	simm.s32 $0x0;
	s27 =	simm.s32 $0x0;
	s30 =	sadd.s32 s7, s6  }
0xd: {  	s8 =	sadd.s32 $0x400, s0;
	s6 =	simm.s32 $0x1;
	s7 =	smul.u32 s30, s1  }
0xe: {  	s9 =	sshll.u32 s4, $0x3;
	s16 =	smov.u32 s3;
	[sflag:s6] =	ssyncpa.u1 $0x0  }
0xf: {  	s17 =	smov.u32 s2;
	[sflag:s31] =	ssyncpa.u1 $0x0;
	s10 =	sadd.s32 $0x1, s7  }
.LBB1_7:
0x10: {  	p0 =	slt.u32 s18, $0x2  }
0x11: {  	p1 =	sgt.s32 @!p0 s20, $0x3F9  }
0x12: {  	s0 =	smov.u32 s20;
	s5 =	smov.u32 s19;
	p1 =	por !p1, p0  }
0x13: {  	s1 =	sshra.s32 @!p0 s20, $0x1F;
	s0 =	simm.s32 @p1 $0x3F9;
	p1 =	sgt.s32 @!p0 s19, $0x8  }
0x14: {  	s11 =	sshra.s32 @!p0 s19, $0x1F;
	s1 =	sand.u32 @!p0 s1, s20;
	p1 =	por !p1, p0  }
0x15: {  	s0 =	ssub.s32 @!p0 s0, s1;
	s1 =	sand.u32 @!p0 s11, s19;
	s5 =	simm.s32 @p1 $0x8  }
0x16: {  	s1 =	ssub.s32 @!p0 s5, s1  }
0x17: {  	s11 =	sadd.s32 @!p0 $0xFFFFFC07, s0;
	s0 =	ssub.s32 @!p0 $0x401, s0;
	s1 =	sadd.s32 @!p0 $0xFFFFFFF8, s1  }
0x18: {  	p1 =	sgt.s32 @!p0 s11, $0x7;
	p2 =	sgt.s32 @!p0 s1, $0x7;
	s1 =	sshll.u32 @!p0 s1, $0x8  }
0x19: {  	p1 =	por !p1, p0;
	s1 =	ssub.s32 @!p0 $0x800, s1;
	p2 =	por !p2, p0  }
0x1a: {  	s0 =	simm.s32 @!p1 $0x0;
	s1 =	simm.s32 @!p2 $0x0  }
0x1b: {  	s0 =	smul.u32 @!p0 s0, s1;
	s1 =	sadd.s32 $0x40, s16  }
0x1c: {  	s22 =	smov.u32 s17;
	s11 =	sadd.s32 $0x10, s17;
	p1 =	sgt.s32 s1, $0x400  }
0x1d: {  	s22 =	smov.u32 @p1 s11  }
0x1e: {  	s1 =	smov.u32 @p1 s3;
	p1 =	sgt.s32 s22, $0xF  }
0x1f: {  	s13 =	sadd.s32 $0x4000, s13;
	s22 =	smov.u32 @p1 s2;
	p1 =	sne.s32 s18, s10  }
.Ltmp1:
0x20: {  	s21 =	smov.u32 s4;
	s20 =	smov.u32 s14;
	(pc) =	sbr.rel @!p1 .LBB1_8-.Ltmp1, $4  }
0x21: {  	s14 =	smov.u32 s16;
	s5 =	simm.s32 @!p0 $0x2;
	s0 =	sand.u32 @!p0 $0x3FFFFF00, s0  }
0x22: {  	s19 =	smov.u32 s15;
	s15 =	smov.u32 s17;
	_ =	swait.ge @!p0 [sflag:s5], s0  }
0x23: {  	s0 =	ssub.s32 @!p0 $0x0, s0;
	s16 =	smov.u32 s1;
	[sflag:s5] =	ssyncset.done @!p0 $0x0  }
0x24: {  	s18 =	sadd.s32 $0x1, s18;
	[sflag:s5] =	ssyncadd.s32 @!p0 s0;
	s17 =	smov.u32 s22  }
.LBB1_1:
0x25: {  	p0 =	sge.u32 s18, s7  }
0x26: {  	s0 =	sshll.u32 @!p0 s16, $0x9  }
0x27: {  	s1 =	sshll.u32 @!p0 s16, $0x7;
	s0 =	sand.u32 @!p0 $0xFFFFF000, s0  }
0x28: {  	s1 =	sand.u32 @!p0 $0x200, s1;
	s0 =	sor.u32 @!p0 s9, s0  }
0x29: {  	s0 =	sor.u32 @!p0 s1, s0  }
0x2a: {  	s0 =	sshrl.u32 @!p0 s0, $0x9  }
0x2b: {  	s1 =	smulhi.u32 @!p0 $0x7F01FD, s0;
	_ =	sdelay $0x1  }
0x2c: {  	s1 =	sshrl.u32 @!p0 s1, $0x1  }
0x2d: {  	s1 =	smul.u32 @!p0 $0x408, s1  }
0x2e: {  	s31 =	sadd.s32 $0xFFFFFFFF, s18;
	s5 =	smul.u32 @!p0 $0x10200, s17  }
0x2f: {  	s11 =	sxor.u32 @!p0 $0xFFFFFFFF, s18;
	s0 =	ssub.s32 @!p0 s0, s1;
	s1 =	sshll.u32 @!p0 s16, $0x4  }
0x30: {  	s11 =	sshll.u32 @!p0 s11, $0xE;
	s5 =	sadd.s32 @!p0 s8, s5;
	s1 =	sand.u32 @!p0 $0x30, s1  }
0x31: {  	s11 =	sand.u32 @!p0 $0x4000, s11;
	s0 =	sshll.u32 @!p0 s0, $0x6;
	s1 =	sadd.s32 @!p0 s1, s5  }
0x32: {  	s5 =	simm.s32 @!p0 $0x81000;
	s0 =	sadd.s32 @!p0 s0, s1;
	s1 =	simm.s32 @!p0 $0x800  }
0x33: {  	[tilespmem:s11], [sflag:$0x1] =	stream.strided.gather @!p0 [hbm4b:s0+s1], $0x4000, s5, s1, $0x38;
	[tilespmem:$0x10000] =	vst v63  }
0x34: {  	p0 =	sge.u32 s31, s7  }
.Ltmp2:
0x35: {  	_ = 	snop;
	(pc) =	sbr.rel @p0 .LBB1_7-.Ltmp2, $1  }
0x36: {  	_ =	sdelay $0x3  }
0x37: {  	s0 =	sshll.u32 s13, $0x2;
	_ =	swait.ge [sflag:s6], $0x4000;
	s1 =	sshll.u32 s18, $0xE  }
0x38: {  	p0 =	por $0x0, $0x0;
	s28 =	simm.s32 $0x0;
	s29 =	simm.s32 $0x0  }
0x39: {  	s0 =	sand.u32 $0x10000, s0;
	[sflag:s6] =	ssyncset.done $0x0;
	s25 =	sand.u32 $0x4000, s1  }
0x3a: {  	s0 =	sshrl.u32 s0, $0x2;
	[sflag:s6] =	ssyncadd.s32 $0xFFFFC000;
	s22 =	sor.u32 $0x8000, s25  }
0x3b: {  	s23 =	sor.u32 $0x40, s0;
	s5 =	sor.u32 $0x8410, s0;
	s26 =	sadd.s32 $0x8400, s0  }
.LBB1_3:
0x3c: {  	v1 =	vld [tilespmem:s23+$0xFFFFFFD0]  }
0x3d: {  	v2 =	vld [tilespmem:s23+$0x430]  }
0x3e: {  	s0 =	sshll.u32 s29, $0xB;
	v4 =	vld [tilespmem:s23+$0xFFFFFFE0]  }
0x3f: {  	v7 =	vld [tilespmem:s23+$0xFFFFFFF0];
	v0 =	vmov s0  }
0x40: {  	v8 =	vld [tilespmem:s23+$0x0]  }
0x41: {  	s11 =	sand.u32 $0x300, s27;
	v9 =	vld [tilespmem:s23+$0x10]  }
0x42: {  	s1 =	sand.u32 $0x80, s27;
	v10 =	vld [tilespmem:s23+$0x20];
	s0 =	sadd.s32 s11, s25  }
0x43: {  	v11 =	vld [tilespmem:s23+$0x30];
	s0 =	sadd.s32 s1, s0;
	s1 =	simm.s32 $0x1;
	[tilespmem:s5+$0x60] =	vst v2  }
0x44: {  	s24 =	sshll.u32 s28, $0x2;
	s1 =	simm.s32 @!p0 $0x0;
	[tilespmem:s5+$0xFFFFFC00] =	vst v1;
	v3 =	vld.idx.msk [tilespmem:v0+s0+$0x400 ss:$0x1], $0xffff  }
0x45: {  	v6 =	vld [tilespmem:s23+$0x3D0];
	s1 =	sshll.u32 s1, $0x9;
	[tilespmem:s5+$0xFFFFFC10] =	vst v4;
	s0 =	sand.u32 $0xFFFFFC00, s24  }
0x46: {  	v5 =	vld [tilespmem:s23+$0x3E0];
	[tilespmem:s5+$0xFFFFFC20] =	vst v7;
	s0 =	sor.u32 s1, s0  }
0x47: {  	[tilespmem:s5+$0xFFFFFC30] =	vst v8;
	v4 =	vld [tilespmem:s23+$0x400];
	s0 =	sshrl.u32 s0, $0x2  }
0x48: {  	[tilespmem:s5+$0xFFFFFC40] =	vst v9;
	v1 =	vld [tilespmem:s23+$0x410];
	s30 =	sadd.s32 s0, s26  }
0x49: {  	[tilespmem:s30+$0x0] =	vst v3;
	v3 =	vld [tilespmem:s23+$0x3F0]  }
0x4a: {  	s31 =	sadd.s32 $0x80, s23;
	[tilespmem:s5+$0xFFFFFC50] =	vst v10;
	v2 =	vld [tilespmem:s23+$0x420];
	s1 =	simm.s32 $0x80  }
0x4b: {  	v7 =	vld [tilespmem:s23+$0xFFFFFFC0];
	[tilespmem:s5+$0xFFFFFC60] =	vst v11;
	s24 =	smov.u32 s5;
	s11 =	sand.u32 $0x300, s1;
	s0 =	simm.s32 $0x100  }
.LBB1_4:
0x4c: {  	p1 =	sne.s32 s0, $0x380;
	v8 =	vld [tilespmem:s31+$0xFFFFFFD0];
	s1 =	sand.u32 $0x80, s1;
	s11 =	sadd.s32 s11, s25;
	[tilespmem:s24+$0x0] =	vst v6  }
0x4d: {  	s11 =	sadd.s32 s1, s11;
	v6 =	vld [tilespmem:s31+$0x430];
	[tilespmem:s24+$0x10] =	vst v5;
	s1 =	smov.u32 s0  }
0x4e: {  	v5 =	vld.idx.msk [tilespmem:v0+s11+$0x400 ss:$0x1], $0xffff;
	[tilespmem:s24+$0x20] =	vst v3  }
0x4f: {  	v3 =	vld [tilespmem:s31+$0xFFFFFFE0];
	[tilespmem:s24+$0x30] =	vst v4  }
0x50: {  	v4 =	vld [tilespmem:s31+$0xFFFFFFF0];
	[tilespmem:s24+$0xFFFFFBF0] =	vst v7  }
0x51: {  	v7 =	vld [tilespmem:s31+$0x0];
	[tilespmem:s24+$0x40] =	vst v1  }
0x52: {  	v1 =	vld [tilespmem:s31+$0x10];
	[tilespmem:s24+$0x50] =	vst v2;
	s24 =	sadd.s32 $0x800, s24  }
0x53: {  	s30 =	sadd.s32 $0x800, s30;
	v2 =	vld [tilespmem:s31+$0x20];
	[tilespmem:s24+$0x60] =	vst v6  }
0x54: {  	v9 =	vld [tilespmem:s31+$0x30];
	[tilespmem:s30+$0x0] =	vst v5  }
0x55: {  	[tilespmem:s24+$0xFFFFFC00] =	vst v8;
	v6 =	vld [tilespmem:s31+$0x3D0]  }
0x56: {  	[tilespmem:s24+$0xFFFFFC10] =	vst v3;
	v5 =	vld [tilespmem:s31+$0x3E0]  }
.Ltmp3:
0x57: {  	[tilespmem:s24+$0xFFFFFC20] =	vst v4;
	v3 =	vld [tilespmem:s31+$0x3F0];
	(pc) =	sbr.rel @p1 .LBB1_4-.Ltmp3, $4  }
0x58: {  	[tilespmem:s24+$0xFFFFFC30] =	vst v7;
	v4 =	vld [tilespmem:s31+$0x400]  }
0x59: {  	[tilespmem:s24+$0xFFFFFC40] =	vst v1;
	v1 =	vld [tilespmem:s31+$0x410]  }
0x5a: {  	[tilespmem:s24+$0xFFFFFC50] =	vst v2;
	v2 =	vld [tilespmem:s31+$0x420]  }
0x5b: {  	s0 =	sadd.s32 $0x80, s0;
	s11 =	sand.u32 $0x300, s1;
	v7 =	vld [tilespmem:s31+$0xFFFFFFC0];
	[tilespmem:s24+$0xFFFFFC60] =	vst v9;
	s31 =	sadd.s32 $0x80, s31  }
0x5c: {  	[tilespmem:s24+$0x0] =	vst v6  }
0x5d: {  	[tilespmem:s24+$0x10] =	vst v5  }
0x5e: {  	v49 =	vld [tilespmem:s31+$0x430];
	[tilespmem:s24+$0x20] =	vst v3  }
0x5f: {  	v50 =	vld [tilespmem:s31+$0xFFFFFFD0];
	[tilespmem:s24+$0x30] =	vst v4  }
0x60: {  	v51 =	vld [tilespmem:s31+$0xFFFFFFE0];
	[tilespmem:s24+$0x40] =	vst v1  }
0x61: {  	v52 =	vld [tilespmem:s31+$0xFFFFFFF0];
	[tilespmem:s24+$0x50] =	vst v2  }
0x62: {  	v53 =	vld [tilespmem:s31+$0x0];
	[tilespmem:s24+$0xFFFFFBF0] =	vst v7;
	s24 =	sadd.s32 $0x800, s24  }
0x63: {  	v54 =	vld [tilespmem:s31+$0x10];
	[tilespmem:s24+$0x60] =	vst v49  }
0x64: {  	v55 =	vld [tilespmem:s31+$0x20];
	[tilespmem:s24+$0xFFFFFC00] =	vst v50  }
0x65: {  	v56 =	vld [tilespmem:s31+$0x30];
	[tilespmem:s24+$0xFFFFFC10] =	vst v51  }
0x66: {  	v57 =	vld [tilespmem:s31+$0x3D0];
	[tilespmem:s24+$0xFFFFFC20] =	vst v52  }
0x67: {  	v58 =	vld [tilespmem:s31+$0x3E0];
	[tilespmem:s24+$0xFFFFFC30] =	vst v53  }
0x68: {  	v59 =	vld [tilespmem:s31+$0x3F0];
	[tilespmem:s24+$0xFFFFFC40] =	vst v54  }
0x69: {  	v60 =	vld [tilespmem:s31+$0x400];
	[tilespmem:s24+$0xFFFFFC50] =	vst v55  }
0x6a: {  	v61 =	vld [tilespmem:s31+$0xFFFFFFC0];
	[tilespmem:s24+$0xFFFFFC60] =	vst v56  }
0x6b: {  	s0 =	sand.u32 $0x80, s1;
	s11 =	sadd.s32 s11, s25;
	v62 =	vld [tilespmem:s31+$0x410];
	[tilespmem:s24+$0x0] =	vst v57  }
0x6c: {  	v63 =	vld [tilespmem:s31+$0x420];
	s29 =	sadd.s32 $0x1, s29;
	s0 =	sadd.s32 s0, s11;
	[tilespmem:s24+$0x10] =	vst v58  }
0x6d: {  	p1 =	sne.s32 s29, $0x8;
	v0 =	vld.idx.msk [tilespmem:v0+s0+$0x400 ss:$0x1], $0xffff;
	[tilespmem:s24+$0x20] =	vst v59  }
.Ltmp4:
0x6e: {  	[tilespmem:s24+$0x30] =	vst v60;
	(pc) =	sbr.rel @p1 .LBB1_3-.Ltmp4, $4  }
0x6f: {  	[tilespmem:s24+$0xFFFFFBF0] =	vst v61  }
0x70: {  	[tilespmem:s24+$0x40] =	vst v62  }
0x71: {  	s30 =	sadd.s32 $0x800, s30;
	s23 =	sadd.s32 $0x800, s23;
	[tilespmem:s24+$0x50] =	vst v63  }
0x72: {  	s28 =	sadd.s32 $0x80, s28;
	p0 =	por !p0, !p0;
	s5 =	sadd.s32 $0x80, s5;
	[tilespmem:s30+$0x0] =	vst v0  }
0x73: {  	p0 =	sgt.s32 s14, $0x3F9;
	s0 =	smov.u32 s14;
	s1 =	sshra.s32 s14, $0x1F  }
0x74: {  	s5 =	sshll.u32 s15, $0x9;
	s11 =	sshra.s32 s15, $0x1F;
	s21 =	sshll.u32 s21, $0x3  }
0x75: {  	s26 =	sshll.u32 s15, $0x7;
	s28 =	sshll.u32 s14, $0xA;
	s29 =	sshll.u32 s15, $0x4  }
0x76: {  	s30 =	rddreg [dreg:$0x1];
	s0 =	simm.s32 @!p0 $0x3F9;
	s1 =	sand.u32 s1, s14  }
0x77: {  	p0 =	sgt.s32 s15, $0x8;
	s0 =	ssub.s32 s0, s1;
	s1 =	smov.u32 s15  }
0x78: {  	s5 =	sand.u32 $0x1000, s5;
	s11 =	sand.u32 s11, s15;
	s1 =	simm.s32 @!p0 $0x8  }
0x79: {  	s5 =	sor.u32 s5, s21;
	s25 =	sadd.s32 $0xFFFFFC07, s0;
	s1 =	ssub.s32 s1, s11  }
0x7a: {  	s0 =	ssub.s32 $0x401, s0;
	p0 =	sgt.s32 s25, $0x7;
	s1 =	sadd.s32 $0xFFFFFFF8, s1  }
0x7b: {  	s11 =	sand.u32 $0x200, s26;
	p1 =	sgt.s32 s1, $0x7;
	s1 =	sshll.u32 s1, $0x8  }
0x7c: {  	s0 =	simm.s32 @p0 $0x0;
	s5 =	sor.u32 s11, s5;
	s1 =	ssub.s32 $0x800, s1  }
.Ltmp5:
0x7d: {  	s11 =	sand.u32 $0x30, s29;
	s1 =	simm.s32 @p1 $0x0;
	(pc) =	sbr.rel .LBB1_7-.Ltmp5, $4  }
0x7e: {  	s5 =	sshrl.u32 s5, $0x3;
	s0 =	smul.u32 s0, s1;
	s1 =	sadd.s32 s30, s28  }
0x7f: {  	s5 =	sand.u32 $0x3C0, s5;
	s1 =	sadd.s32 s11, s1  }
0x80: {  	s31 =	simm.s32 $0x800;
	s0 =	sand.u32 $0x3FFFFF00, s0;
	s1 =	sadd.s32 s5, s1  }
0x81: {  	[hbm4b:s1+s31] =	stream.strided.scatter [tilespmem:s22], [sflag:$0x2], s0, s12, s31, $0x38;
	[tilespmem:$0x10000] =	vst v63  }
.LBB1_8:
0x82: {  	_ =	sfence.sel $0x180000  }
0x83: {  	s0 =	simm.s32 $0x1;
	[bflag:$0x0] =	sbarrier.arrive $0xFFFF  }
0x84: {  	s30 =	simm.s32 $0x2;
	[sflag:s0] =	ssyncpa.u1 $0x1  }
0x85: {  	[sflag:s30] =	ssyncpa.u1 $0x1  }
0x86: {  	_ =	strace $0x90000047  }
0x87: {  	s31 =	stileid.u32;
	[bflag:$0x2] =	sbarrier.arrive $0xFFFF  }
0x88: {  	p0 =	sne.s32 s31, $0x0;
	s0 =	rddreg [dreg:$0x2]  }
0x89: {  	s0 =	sadd.s32 @!p0 $0x100000, s0  }
0x8a: {  	[sflag:s0] =	ssyncadd.tile.s32 @!p0 $0x1;
	_ =	shalt  }
.Lfunc_end1:
_tile_overlayer_lowered:
.L_overlay_start_2:
0x8b: {  	(tag) =	ssettag $0x2  }
0x8c: {  	s0 =	rddreg [dreg:$0x0];
	s2 =	stileid.u32  }
0x8d: {  	s1 =	rddreg [dreg:$0x1];
	p0 =	sne.s32 s2, $0x0  }
0x8e: {  	s3 =	rddreg [dreg:$0x2];
	[bflag:$0x3] =	sbarrier.arrive $0xFFFF;
	s2 =	simm.s32 @!p0 $0x1C01  }
0x8f: {  	[timem:s3], [sflag:s2] =	dma.local @!p0 [hbm:s0], s1  }
0x90: {  	s0 =	simm.s32 @!p0 $0x1  }
0x91: {  	_ =	swait.ge @!p0 [sflag:s0], s1  }
0x92: {  	s1 =	ssub.s32 @!p0 $0x0, s1;
	[sflag:s0] =	ssyncset.done @!p0 $0x0  }
0x93: {  	[sflag:s0] =	ssyncadd.s32 @!p0 s1  }
0x94: {  	[bflag:$0x3] =	sbarrier.arrive $0xFFFF  }
0x95: {  	_ =	shalt  }

</sc_bundles>
